<compile_context>
chip_gen: v7x
topology: tpu7x:2x2x1
jax: 0.10.2.dev20260603
libtpu: 0.0.44.dev20260713+nightly
codegen_flags: <defaults>
</compile_context>

<pallas_src>
import functools

import jax
import jax.numpy as jnp
from jax import lax
from jax.experimental import pallas as pl
from jax.experimental.pallas import tpu as pltpu, tpu_sc as plsc


@functools.cache
def _build(V, D, B):
    info = plsc.get_sparse_core_info()
    NC, NS, L = info.num_cores, info.num_subcores, info.num_lanes
    NW = NC * NS
    assert B % (8 * NW) == 0 and D % L == 0
    b_per_w = B // NW
    n_el = b_per_w * D
    mesh = plsc.VectorSubcoreMesh(core_axis_name="c", subcore_axis_name="s")

    @functools.partial(
        pl.kernel,
        mesh=mesh,
        out_type=jax.ShapeDtypeStruct((D, B), jnp.float32),
        scratch_types=[
            pltpu.VMEM((b_per_w,), jnp.int32),
            pltpu.VMEM((n_el,), jnp.int32),
            pltpu.VMEM((n_el,), jnp.float32),
            pltpu.SemaphoreType.DMA,
            pltpu.SemaphoreType.DMA,
        ],
        compiler_params=pltpu.CompilerParams(skip_device_barrier=True),
    )
    def k(t_hbm, idx_hbm, out_hbm, idx_v, gidx_v, buf_v, sem, sem2):
        wid = lax.axis_index("s") * NC + lax.axis_index("c")
        base = wid * b_per_w
        pltpu.sync_copy(idx_hbm.at[pl.ds(base, b_per_w)], idx_v)

        def fire_j(j, _):
            def build_g(g, _):
                v = idx_v[pl.ds(g * L, L)]
                gidx_v[pl.ds(j * b_per_w + g * L, L)] = v + j * V
                return 0

            lax.fori_loop(0, b_per_w // L, build_g, 0)
            pltpu.async_copy(
                t_hbm.at[gidx_v.at[pl.ds(j * b_per_w, b_per_w)]],
                buf_v.at[pl.ds(j * b_per_w, b_per_w)],
                sem,
            )
            return 0

        lax.fori_loop(0, D, fire_j, 0)

        def out_j(j, _):
            pltpu.make_async_copy(
                t_hbm.at[gidx_v.at[pl.ds(j * b_per_w, b_per_w)]],
                buf_v.at[pl.ds(j * b_per_w, b_per_w)],
                sem,
            ).wait()
            pltpu.async_copy(
                buf_v.at[pl.ds(j * b_per_w, b_per_w)],
                out_hbm.at[j, pl.ds(base, b_per_w)],
                sem2,
            )
            return 0

        lax.fori_loop(0, D, out_j, 0)

        def drain_j(j, _):
            pltpu.make_async_copy(
                buf_v.at[pl.ds(j * b_per_w, b_per_w)],
                out_hbm.at[j, pl.ds(base, b_per_w)],
                sem2,
            ).wait()
            return 0

        lax.fori_loop(0, D, drain_j, 0)

    return k


def kernel(table, subject_ids):
    V, D = table.shape
    (B,) = subject_ids.shape
    tflat = table.T.reshape(-1)
    outT = _build(V, D, B)(tflat, subject_ids.astype(jnp.int32))
    return outT.T

# --- scband reference (transcript-rebuilt; emitter-appended) ---
"""Pipeline reference for scband-subject-embedding-11115375362072 (READ-ONLY COPY).

The authoritative reference and input builder live on the scoring server;
editing this copy changes nothing except your own understanding.
"""

import jax, jax.numpy as jnp
import numpy as np

NUM_SUBJECTS = 100000
EMBED_DIM = 32
BATCH = 16384

def setup_inputs(seed: int = 0) -> dict:
    key = jax.random.key(seed)
    k1, k2 = jax.random.split(key)
    # Learned embedding table for dataset key 'ds0' (nn.Embedding weight)
    table = jax.random.normal(k1, (NUM_SUBJECTS, EMBED_DIM), dtype=jnp.float32)
    subject_ids = jax.random.randint(k2, (BATCH,), 0, NUM_SUBJECTS, dtype=jnp.int64)
    return {"table": table, "subject_ids": subject_ids}

def reference(table, subject_ids):
    # self.dataset_embeddings[dataset_key](subject_ids) for dataset_key='ds0'
    return jnp.take(table, subject_ids, axis=0)

if __name__ == "__main__":
    import jax
    _d = setup_inputs()
    print(jax.jit(kernel)(*tuple(_d.values())))

</pallas_src>

<mosaic_0001>
#map = affine_map<(d0, d1) -> (0)>
#map1 = affine_map<(d0, d1) -> (0, 0)>
module attributes {stable_mosaic.version = 14 : i64} {
  func.func @k(%arg0: i32, %arg1: i32, %arg2: memref<3200000xf32, #tpu.memory_space<hbm>>, %arg3: memref<16384xi32, #tpu.memory_space<hbm>>, %arg4: memref<32x16384xf32, #tpu.memory_space<hbm>>, %arg5: memref<512xi32, #tpu.memory_space<vmem>>, %arg6: memref<16384xi32, #tpu.memory_space<vmem>>, %arg7: memref<16384xf32, #tpu.memory_space<vmem>>, %arg8: memref<!tpu.dma_semaphore, #tpu.memory_space<semaphore_mem>>, %arg9: memref<!tpu.dma_semaphore, #tpu.memory_space<semaphore_mem>>) attributes {dimension_semantics = [#tpu.dimension_semantics<core_parallel>, #tpu.dimension_semantics<subcore_parallel>], iteration_bounds = array<i64: 2, 16>, scalar_prefetch = 0 : i64, scratch_operands = 5 : i64, tpu.core_type = #tpu.core_type<sc_vector_subcore>, window_params = [{transform_indices = #map}, {transform_indices = #map}, {transform_indices = #map1}]} {
    %mul3A = arith.constant 2 : i32
    %mul3A_0 = arith.muli %arg1, %mul3A : i32
    %add3A = arith.addi %mul3A_0, %arg0 : i32
    %mul3A_1 = arith.constant 512 : i32
    %mul3A_2 = arith.muli %add3A, %mul3A_1 : i32
    "tpu.region"() ({
      %run_scoped3A = tpu.sem_alloc : memref<!tpu.dma_semaphore, #tpu.memory_space<semaphore_mem>>
      %dma_start3A = tpu.memref_slice %arg3[%mul3A_2] : memref<16384xi32, #tpu.memory_space<hbm>> -> memref<512xi32, #tpu.memory_space<hbm>>
      %dma_start3A_23 = tpu.memref_slice %arg3[%mul3A_2] : memref<16384xi32, #tpu.memory_space<hbm>> -> memref<512xi32, #tpu.memory_space<hbm>>
      tpu.enqueue_dma source(%dma_start3A_23 : memref<512xi32, #tpu.memory_space<hbm>>) target(%arg5 : memref<512xi32, #tpu.memory_space<vmem>>) target_semaphore(%run_scoped3A : memref<!tpu.dma_semaphore, #tpu.memory_space<semaphore_mem>>)
      %dma_wait3A = tpu.memref_slice %arg3[%mul3A_2] : memref<16384xi32, #tpu.memory_space<hbm>> -> memref<512xi32, #tpu.memory_space<hbm>>
      %dma_wait3A_24 = tpu.memref_slice %arg3[%mul3A_2] : memref<16384xi32, #tpu.memory_space<hbm>> -> memref<512xi32, #tpu.memory_space<hbm>>
      tpu.wait_dma2 semaphore(%run_scoped3A : memref<!tpu.dma_semaphore, #tpu.memory_space<semaphore_mem>>) src(%dma_wait3A_24 : memref<512xi32, #tpu.memory_space<hbm>>) dst(%arg5 : memref<512xi32, #tpu.memory_space<vmem>>)
      tpu.yield
    }) : () -> ()
    %scan3A = arith.constant 0 : i32
    %scan3A_3 = arith.constant 0 : i32
    %scan3A_4 = arith.constant 32 : i32
    %scan3A_5 = arith.addi %scan3A_3, %scan3A_4 : i32
    %scan3A_6 = arith.constant 1 : i32
    %scan3A_7 = scf.for %scan3A_23 = %scan3A_3 to %scan3A_5 step %scan3A_6 iter_args(%scan3A_24 = %scan3A) -> (i32)  : i32 {
      %scan3A_25 = arith.constant 0 : i32
      %scan3A_26 = arith.constant 0 : i32
      %scan3A_27 = arith.constant 32 : i32
      %scan3A_28 = arith.addi %scan3A_26, %scan3A_27 : i32
      %scan3A_29 = arith.constant 1 : i32
      %scan3A_30 = scf.for %scan3A_40 = %scan3A_26 to %scan3A_28 step %scan3A_29 iter_args(%scan3A_41 = %scan3A_25) -> (i32)  : i32 {
        %mul3A_42 = arith.constant 16 : i32
        %mul3A_43 = arith.muli %scan3A_40, %mul3A_42 : i32
        %get3A = arith.index_cast %mul3A_43 : i32 to index
        %get3A_44 = tpu.vector_load %arg5[%get3A] {strides = array<i32>} : memref<512xi32, #tpu.memory_space<vmem>>, vector<16xi32>,
        %get3A_45 = vector.shape_cast %get3A_44 : vector<16xi32> to vector<16xi32>
        %mul3A_46 = arith.constant 100000 : i32
        %mul3A_47 = arith.muli %scan3A_23, %mul3A_46 : i32
        %add3A_48 = vector.broadcast %mul3A_47 : i32 to vector<16xi32>
        %add3A_49 = arith.addi %get3A_45, %add3A_48 : vector<16xi32>
        %mul3A_50 = arith.constant 512 : i32
        %mul3A_51 = arith.muli %scan3A_23, %mul3A_50 : i32
        %mul3A_52 = arith.constant 16 : i32
        %mul3A_53 = arith.muli %scan3A_40, %mul3A_52 : i32
        %add3A_54 = arith.addi %mul3A_51, %mul3A_53 : i32
        %swap3A = arith.index_cast %add3A_54 : i32 to index
        %swap3A_55 = tpu.vector_load %arg6[%swap3A] {strides = array<i32>} : memref<16384xi32, #tpu.memory_space<vmem>>, vector<16xi32>,
        %swap3A_56 = vector.shape_cast %swap3A_55 : vector<16xi32> to vector<16xi32>
        %swap3A_57 = vector.shape_cast %add3A_49 : vector<16xi32> to vector<16xi32>
        tpu.vector_store %arg6[%swap3A], %swap3A_57 {strides = array<i32>} : memref<16384xi32, #tpu.memory_space<vmem>>, vector<16xi32>,
        %scan3A_58 = arith.constant 0 : i32
        scf.yield %scan3A_58 : i32
      }
      %scan3A_31 = arith.constant 32 : i32
      %mul3A_32 = arith.constant 512 : i32
      %mul3A_33 = arith.muli %scan3A_23, %mul3A_32 : i32
      %mul3A_34 = arith.constant 512 : i32
      %mul3A_35 = arith.muli %scan3A_23, %mul3A_34 : i32
      %dma_start3A = tpu.memref_slice %arg7[%mul3A_35] : memref<16384xf32, #tpu.memory_space<vmem>> -> memref<512xf32, #tpu.memory_space<vmem>>
      %dma_start3A_36 = tpu.memref_slice %arg6[%mul3A_33] : memref<16384xi32, #tpu.memory_space<vmem>> -> memref<512xi32, #tpu.memory_space<vmem>>
      %dma_start3A_37 = arith.constant 0 : i32
      %dma_start3A_38 = tpu.memref_slice %arg2[%dma_start3A_37] : memref<3200000xf32, #tpu.memory_space<hbm>> -> memref<3200000xf32, #tpu.memory_space<hbm>>
      tpu.enqueue_indirect_dma source(%dma_start3A_38 : memref<3200000xf32, #tpu.memory_space<hbm>>) target(%dma_start3A : memref<512xf32, #tpu.memory_space<vmem>>) offsets(%dma_start3A_36 : memref<512xi32, #tpu.memory_space<vmem>>) semaphore(%arg8 : memref<!tpu.dma_semaphore, #tpu.memory_space<semaphore_mem>>)
      %scan3A_39 = arith.constant 0 : i32
      scf.yield %scan3A_39 : i32
    }
    %scan3A_8 = arith.constant 32 : i32
    %scan3A_9 = arith.constant 0 : i32
    %scan3A_10 = arith.constant 0 : i32
    %scan3A_11 = arith.constant 32 : i32
    %scan3A_12 = arith.addi %scan3A_10, %scan3A_11 : i32
    %scan3A_13 = arith.constant 1 : i32
    %scan3A_14 = scf.for %scan3A_23 = %scan3A_10 to %scan3A_12 step %scan3A_13 iter_args(%scan3A_24 = %scan3A_9) -> (i32)  : i32 {
      %mul3A_25 = arith.constant 512 : i32
      %mul3A_26 = arith.muli %scan3A_23, %mul3A_25 : i32
      %mul3A_27 = arith.constant 512 : i32
      %mul3A_28 = arith.muli %scan3A_23, %mul3A_27 : i32
      %dma_wait3A = tpu.memref_slice %arg7[%mul3A_28] : memref<16384xf32, #tpu.memory_space<vmem>> -> memref<512xf32, #tpu.memory_space<vmem>>
      %dma_wait3A_29 = tpu.memref_slice %arg6[%mul3A_26] : memref<16384xi32, #tpu.memory_space<vmem>> -> memref<512xi32, #tpu.memory_space<vmem>>
      %dma_wait3A_30 = arith.constant 0 : i32
      %dma_wait3A_31 = tpu.memref_slice %arg2[%dma_wait3A_30] : memref<3200000xf32, #tpu.memory_space<hbm>> -> memref<3200000xf32, #tpu.memory_space<hbm>>
      tpu.wait_indirect_dma semaphore(%arg8 : memref<!tpu.dma_semaphore, #tpu.memory_space<semaphore_mem>>) src(%dma_wait3A_31 : memref<3200000xf32, #tpu.memory_space<hbm>>) dst(%dma_wait3A : memref<512xf32, #tpu.memory_space<vmem>>)
      %mul3A_32 = arith.constant 512 : i32
      %mul3A_33 = arith.muli %scan3A_23, %mul3A_32 : i32
      %dma_start3A = tpu.memref_slice %arg7[%mul3A_33] : memref<16384xf32, #tpu.memory_space<vmem>> -> memref<512xf32, #tpu.memory_space<vmem>>
      %dma_start3A_34 = tpu.memref_slice %arg4[%scan3A_23, %mul3A_2] : memref<32x16384xf32, #tpu.memory_space<hbm>> -> memref<1x512xf32, #tpu.memory_space<hbm>>
      %dma_start3A_35 = tpu.memref_squeeze %dma_start3A_34 : memref<1x512xf32, #tpu.memory_space<hbm>> -> memref<512xf32, #tpu.memory_space<hbm>>
      %dma_start3A_36 = tpu.memref_slice %arg4[%scan3A_23, %mul3A_2] : memref<32x16384xf32, #tpu.memory_space<hbm>> -> memref<1x512xf32, #tpu.memory_space<hbm>>
      %dma_start3A_37 = tpu.memref_squeeze %dma_start3A_36 : memref<1x512xf32, #tpu.memory_space<hbm>> -> memref<512xf32, #tpu.memory_space<hbm>>
      %dma_start3A_38 = tpu.memref_slice %arg7[%mul3A_33] : memref<16384xf32, #tpu.memory_space<vmem>> -> memref<512xf32, #tpu.memory_space<vmem>>
      tpu.enqueue_dma source(%dma_start3A_38 : memref<512xf32, #tpu.memory_space<vmem>>) target(%dma_start3A_37 : memref<512xf32, #tpu.memory_space<hbm>>) target_semaphore(%arg9 : memref<!tpu.dma_semaphore, #tpu.memory_space<semaphore_mem>>)
      %scan3A_39 = arith.constant 0 : i32
      scf.yield %scan3A_39 : i32
    }
    %scan3A_15 = arith.constant 32 : i32
    %scan3A_16 = arith.constant 0 : i32
    %scan3A_17 = arith.constant 0 : i32
    %scan3A_18 = arith.constant 32 : i32
    %scan3A_19 = arith.addi %scan3A_17, %scan3A_18 : i32
    %scan3A_20 = arith.constant 1 : i32
    %scan3A_21 = scf.for %scan3A_23 = %scan3A_17 to %scan3A_19 step %scan3A_20 iter_args(%scan3A_24 = %scan3A_16) -> (i32)  : i32 {
      %mul3A_25 = arith.constant 512 : i32
      %mul3A_26 = arith.muli %scan3A_23, %mul3A_25 : i32
      %dma_wait3A = tpu.memref_slice %arg7[%mul3A_26] : memref<16384xf32, #tpu.memory_space<vmem>> -> memref<512xf32, #tpu.memory_space<vmem>>
      %dma_wait3A_27 = tpu.memref_slice %arg4[%scan3A_23, %mul3A_2] : memref<32x16384xf32, #tpu.memory_space<hbm>> -> memref<1x512xf32, #tpu.memory_space<hbm>>
      %dma_wait3A_28 = tpu.memref_squeeze %dma_wait3A_27 : memref<1x512xf32, #tpu.memory_space<hbm>> -> memref<512xf32, #tpu.memory_space<hbm>>
      %dma_wait3A_29 = tpu.memref_slice %arg4[%scan3A_23, %mul3A_2] : memref<32x16384xf32, #tpu.memory_space<hbm>> -> memref<1x512xf32, #tpu.memory_space<hbm>>
      %dma_wait3A_30 = tpu.memref_squeeze %dma_wait3A_29 : memref<1x512xf32, #tpu.memory_space<hbm>> -> memref<512xf32, #tpu.memory_space<hbm>>
      %dma_wait3A_31 = tpu.memref_slice %arg7[%mul3A_26] : memref<16384xf32, #tpu.memory_space<vmem>> -> memref<512xf32, #tpu.memory_space<vmem>>
      tpu.wait_dma2 semaphore(%arg9 : memref<!tpu.dma_semaphore, #tpu.memory_space<semaphore_mem>>) src(%dma_wait3A_31 : memref<512xf32, #tpu.memory_space<vmem>>) dst(%dma_wait3A_30 : memref<512xf32, #tpu.memory_space<hbm>>)
      %scan3A_32 = arith.constant 0 : i32
      scf.yield %scan3A_32 : i32
    }
    %scan3A_22 = arith.constant 32 : i32
    return
  }
}

</mosaic_0001>

<sc_bundles>
// kernel: kernel.3.cloned.1.call-start
scs
__scs_entry_jumppad:
0x0: {  	(pc) =	sbr.rel $0x88, $3  }
0x1: {  	(tag) =	ssettag $0x0;
	lr =	simm.s32 $0x1  }
0x2: {  	[smem:$0x3F9F] =	sst lr;
	_ =	strace $0xD0000000  }
0x3: {  	_ = 	snop  }
0x4: {  	_ = 	snop  }
0x5: {  	_ = 	snop  }
0x6: {  	_ = 	snop  }
0x7: {  	_ = 	snop  }
__scs_overlays_trampoline_lowered:
0x8: {  	[smem:$0x3FAE] =	sst s0  }
0x9: {  	[smem:$0x3FAF] =	sst s1  }
0xa: {  	[smem:$0x3FB0] =	sst s2  }
0xb: {  	[smem:$0x3FB1] =	sst s3  }
0xc: {  	[smem:$0x3FB2] =	sst s4  }
0xd: {  	[smem:$0x3FB3] =	sst s5  }
0xe: {  	[smem:$0x3FB4] =	sst s6  }
0xf: {  	[smem:$0x3FB5] =	sst s7  }
0x10: {  	[smem:$0x3FB6] =	sst s8  }
0x11: {  	[smem:$0x3FB7] =	sst s9;
	s0 =	simm.s32 @!p0 $0x0  }
0x12: {  	s1 =	sld [smem:$0x3F9D];
	s0 =	simm.s32 @p0 $0x1  }
0x13: {  	[smem:$0x3FB8] =	sst s0;
	s0 =	simm.s32 @!p1 $0x0  }
0x14: {  	s2 =	sld [smem:$0x3F9C];
	s0 =	simm.s32 @p1 $0x1  }
0x15: {  	[smem:$0x3FB9] =	sst s0;
	s0 =	simm.s32 @!p2 $0x0  }
0x16: {  	s3 =	sld [smem:$0x3FDB];
	s0 =	simm.s32 @p2 $0x1  }
0x17: {  	s4 =	simm.s32 $0x1BF5;
	[smem:$0x3FBB] =	sst s0  }
0x18: {  	s0 =	sld [smem:$0x3F9E];
	_ =	swait.ge [sflag:s4], $0x0  }
0x19: {  	s7 =	sld [smem:$0x3F9F]  }
0x1a: {  	s8 =	sadd.s32 $0xFFFFE003, lr  }
0x1b: {  	s9 =	sadd.s32 $0xFFFFFEF7, lr;
	s5 =	simm.s32 $0xFFFFFFFF;
	p2 =	slt.u32 s8, $0xFFFFF086  }
0x1c: {  	p1 =	slt.u32 s9, $0xF7A;
	s5 =	simm.s32 @!p2 $0x0  }
0x1d: {  	s5 =	simm.s32 @p1 $0x1;
	p0 =	seq.s32 s7, s2  }
0x1e: {  	s7 =	smul.u32 @!p0 $0xF7A, s2;
	p2 =	seq.s32 @!p0 s5, $0x0  }
0x1f: {  	s9 =	smul.u32 $0xF7A, s1;
	s8 =	simm.s32 @!p0 $0x1BF5;
	p2 =	por !p2, p0  }
0x20: {  	[sflag:s8] =	ssyncset.s32 @!p0 $0xFFFFF086;
	s6 =	sadd.s32 @!p0 s3, s7;
	s7 =	simm.s32 @!p0 $0x108  }
0x21: {  	s3 =	sadd.s32 s3, s9;
	s6 =	sadd.s32 @!p0 $0x88, s6;
	s7 =	simm.s32 @p2 $0x1082  }
0x22: {  	[simem:s7], [sflag:s8] =	dma.local @!p0 [hbm:s6], $0xF7A  }
0x23: {  	s9 =	sor.u32 $0xD0000000, s2;
	s6 =	simm.s32 $0x108;
	_ =	swait.ge @!p0 [sflag:s8], $0x0  }
0x24: {  	s3 =	sadd.s32 $0x88, s3;
	s6 =	simm.s32 @!p1 $0x1082;
	[sflag:s4] =	ssyncset.s32 $0xFFFFF086  }
0x25: {  	[simem:s6], [sflag:s4] =	dma.local [hbm:s3], $0xF7A  }
0x26: {  	[smem:$0x3F9F] =	sst s1;
	(tag) =	ssettag s2;
	_ =	strace s9  }
0x27: {  	s1 =	sld [smem:$0x3FAF]  }
0x28: {  	s2 =	sld [smem:$0x3FB0]  }
0x29: {  	s4 =	sld [smem:$0x3FB2]  }
0x2a: {  	p0 =	seq.s32 s5, $0x0;
	s5 =	sld [smem:$0x3FB3]  }
0x2b: {  	s6 =	sld [smem:$0x3FB4]  }
0x2c: {  	s7 =	sld [smem:$0x3FB5]  }
0x2d: {  	s3 =	simm.s32 $0x108;
	s8 =	sld [smem:$0x3FB6]  }
0x2e: {  	s3 =	simm.s32 @!p0 $0x1082;
	s9 =	sld [smem:$0x3FB7]  }
0x2f: {  	lr =	sadd.s32 s0, s3;
	s0 =	sld [smem:$0x3FAE]  }
0x30: {  	s3 =	sld [smem:$0x3FB1]  }
0x31: {  	[smem:$0x3FBA] =	sst s10  }
0x32: {  	s10 =	sld [smem:$0x3FB8];
	_ =	sdelay $0x3  }
0x33: {  	p0 =	seq.s32 s10, $0x1;
	s10 =	sld [smem:$0x3FBA];
	_ =	sdelay $0x3  }
0x34: {  	[smem:$0x3FBA] =	sst s10  }
0x35: {  	s10 =	sld [smem:$0x3FB9];
	_ =	sdelay $0x3  }
0x36: {  	p1 =	seq.s32 s10, $0x1;
	s10 =	sld [smem:$0x3FBA];
	_ =	sdelay $0x3  }
0x37: {  	[smem:$0x3FBA] =	sst s10  }
0x38: {  	s10 =	sld [smem:$0x3FBB]  }
0x39: {  	_ = 	snop;
	(pc) =	sbr.ind lr, $3  }
0x3a: {  	_ = 	snop  }
0x3b: {  	_ = 	snop  }
0x3c: {  	p2 =	seq.s32 s10, $0x1;
	s10 =	sld [smem:$0x3FBA]  }
0x3d: {  	_ =	shalt  }
0x3e: {  	_ =	shalt  }
0x3f: {  	_ =	shalt  }
0x40: {  	_ =	shalt  }
0x41: {  	_ =	shalt  }
0x42: {  	_ =	shalt  }
0x43: {  	_ =	shalt  }
0x44: {  	_ =	shalt  }
0x45: {  	_ =	shalt  }
0x46: {  	_ =	shalt  }
0x47: {  	_ =	shalt  }
0x48: {  	_ =	shalt  }
0x49: {  	_ =	shalt  }
0x4a: {  	_ =	shalt  }
0x4b: {  	_ =	shalt  }
0x4c: {  	_ =	shalt  }
0x4d: {  	_ =	shalt  }
0x4e: {  	_ =	shalt  }
0x4f: {  	_ =	shalt  }
0x50: {  	_ =	shalt  }
0x51: {  	_ =	shalt  }
0x52: {  	_ =	shalt  }
0x53: {  	_ =	shalt  }
0x54: {  	_ =	shalt  }
0x55: {  	_ =	shalt  }
0x56: {  	_ =	shalt  }
0x57: {  	_ =	shalt  }
0x58: {  	_ =	shalt  }
0x59: {  	_ =	shalt  }
0x5a: {  	_ =	shalt  }
0x5b: {  	_ =	shalt  }
0x5c: {  	_ =	shalt  }
0x5d: {  	_ =	shalt  }
0x5e: {  	_ =	shalt  }
0x5f: {  	_ =	shalt  }
0x60: {  	_ =	shalt  }
0x61: {  	_ =	shalt  }
0x62: {  	_ =	shalt  }
0x63: {  	_ =	shalt  }
0x64: {  	_ =	shalt  }
0x65: {  	_ =	shalt  }
0x66: {  	_ =	shalt  }
0x67: {  	_ =	shalt  }
0x68: {  	_ =	shalt  }
0x69: {  	_ =	shalt  }
0x6a: {  	_ =	shalt  }
0x6b: {  	_ =	shalt  }
0x6c: {  	_ =	shalt  }
0x6d: {  	_ =	shalt  }
0x6e: {  	_ =	shalt  }
0x6f: {  	_ =	shalt  }
0x70: {  	_ =	shalt  }
0x71: {  	_ =	shalt  }
0x72: {  	_ =	shalt  }
0x73: {  	_ =	shalt  }
0x74: {  	_ =	shalt  }
0x75: {  	_ =	shalt  }
0x76: {  	_ =	shalt  }
0x77: {  	_ =	shalt  }
0x78: {  	_ =	shalt  }
0x79: {  	_ =	shalt  }
0x7a: {  	_ =	shalt  }
0x7b: {  	_ =	shalt  }
0x7c: {  	_ =	shalt  }
0x7d: {  	_ =	shalt  }
0x7e: {  	_ =	shalt  }
0x7f: {  	_ =	shalt  }
0x80: {  	_ =	shalt  }
0x81: {  	_ =	shalt  }
0x82: {  	_ =	shalt  }
0x83: {  	_ =	shalt  }
0x84: {  	_ =	shalt  }
0x85: {  	_ =	shalt  }
0x86: {  	_ =	shalt  }
0x87: {  	_ =	shalt  }
.Lfunc_end0:
.L_simem_size_0:
called_computation_lowered:
.L_overlay_start_0:
0x88: {  	s2 =	sld [smem:$0x3FD9]  }
0x89: {  	s3 =	sld [smem:$0x3FFE];
	_ =	sdelay $0x1  }
0x8a: {  	s1 =	srdreg.scid  }
0x8b: {  	s0 =	sand.u32 $0x1, s1  }
0x8c: {  	s17 =	sshll.u32 s0, $0xA;
	s2 =	sadd.s32 s3, s2  }
0x8d: {  	s2 =	sadd.s32 s2, s17  }
0x8e: {  	[smem:$0x3FC6] =	sst s2  }
0x8f: {  	_ = 	snop  }
0x90: {  	s2 =	sld [smem:$0x3FC8]  }
0x91: {  	s18 =	sld [smem:$0x3FD0];
	(tm) =	ssettm $0x1  }
0x92: {  	s4 =	sld [smem:$0x3FFB];
	_ =	sdelay $0x3  }
0x93: {  	_ =	strace s4  }
0x94: {  	s4 =	sld [smem:$0x3FFC];
	_ =	sdelay $0x3  }
0x95: {  	_ =	strace s4  }
0x96: {  	s4 =	sld [smem:$0x3FFD];
	_ =	sdelay $0x3  }
0x97: {  	_ =	strace s4  }
0x98: {  	_ =	strace $0x8FFFFFFF  }
0x99: {  	s19 =	sld [smem:$0x3FDB];
	_ =	sdelay $0x1  }
0x9a: {  	s5 =	simm.s32 $_scs_section_size  }
0x9b: {  	s6 =	simm.s32 $_size__tile_overlayer_lowered;
	s7 =	simm.s32 $_tile_overlayer_lowered  }
0x9c: {  	s22 =	simm.s32 $0x1BFF;
	s21 =	sshll.u32 s7, $0x1;
	s4 =	sadd.s32 s5, s19  }
0x9d: {  	s8 =	simm.s32 $0x0;
	s20 =	sshll.u32 s6, $0x1;
	s6 =	sadd.s32 s21, s4  }
0x9e: {  	[timem:s8], [sflag:s22] =	dma.local [hbm:s6], s20  }
0x9f: {  	_ =	swait.ge [sflag:s22], s20  }
0xa0: {  	s5 =	ssub.s32 $0x0, s20;
	[sflag:s22] =	ssyncset.done $0x0  }
0xa1: {  	[sflag:s22] =	ssyncadd.s32 s5;
	_ =	sdelay $0x1  }
0xa2: {  	s23 =	simm.s32 $0x1B8B  }
0xa3: {  	_ =	swait.ge [sflag:s23], $0x1  }
0xa4: {  	[sflag:s23] =	ssyncset.done $0x0  }
0xa5: {  	s25 =	simm.s32 $0x1B8E;
	s24 =	sld [smem:$0x3FFE];
	[sflag:s23] =	ssyncadd.s32 $0xFFFFFFFF  }
0xa6: {  	s26 =	simm.s32 $execute0_lowered;
	[smem:$0x3FD2] =	sst s25  }
0xa7: {  	s6 =	sshll.u32 s26, $0x1;
	_ =	strace $0x80000046;
	[dreg:$0x1] =	wrdreg $0xFFFFFFFF  }
0xa8: {  	s28 =	simm.s32 $_size_execute0_lowered;
	s4 =	sadd.s32 s4, s6;
	[dreg:$0x0] =	wrdreg $0x0  }
0xa9: {  	s6 =	sshll.u32 s28, $0x1;
	[dreg:$0x2] =	wrdreg s4  }
0xaa: {  	[dreg:$0x3] =	wrdreg s6  }
0xab: {  	[dreg:$0x4] =	wrdreg $0xC0  }
0xac: {  	_ =	task [dreg:s8], $0x5FFFF  }
0xad: {  	[dreg:$0x1] =	wrdreg $0xFFFFFFFF  }
0xae: {  	[dreg:$0x0] =	wrdreg $0x60  }
0xaf: {  	[dreg:$0x2] =	wrdreg s24  }
0xb0: {  	[dreg:$0x3] =	wrdreg s2  }
0xb1: {  	[dreg:$0x4] =	wrdreg s18  }
0xb2: {  	[dreg:$0x5] =	wrdreg $0x9  }
0xb3: {  	_ =	task.clear_ibuf [dreg:s8], $0x6FFFF;
	_ =	strace $0x90000046  }
0xb4: {  	s29 =	simm.s32 $0x9;
	_ =	strace $0x80000048  }
0xb5: {  	_ =	swait.ge [sflag:s29], $0x1  }
0xb6: {  	[sflag:s29] =	ssyncadd.s32 $0xFFFFFFFF  }
0xb7: {  	_ =	strace $0x90000048  }
0xb8: {  	_ =	sfence  }
0xb9: {  	s30 =	sld [smem:$0x0];
	_ =	sdelay $0x2  }
0xba: {  	s31 =	sshll.u32 s1, $0xD;
	s1 =	sshrl.u32 s1, $0x2  }
0xbb: {  	s3 =	sand.u32 $0x4000, s31;
	s1 =	sadd.s32 s1, s30  }
0xbc: {  	s0 =	sor.u32 s3, s0;
	s1 =	sshll.u32 s1, $0x11  }
0xbd: {  	s0 =	sor.u32 s1, s0  }
0xbe: {  	s0 =	sadd.s32 $0x8F2B, s0  }
0xbf: {  	[sflag:s0] =	ssyncadd.remote.s32 $0x1  }
0xc0: {  	_ =	sfence.sel $0xFFFF  }
0xc1: {  	[dreg:$0x0] =	wrdreg $0xFFFFFFFF;
	(pc) =	sbr.abs _section_cstart, $3  }
0xc2: {  	[dreg:$0x1] =	wrdreg $0xFFFFFFFF  }
0xc3: {  	_ =	task.clear_ibuf [dreg:s8], $0x2FFFF;
	_ =	strace $0x9FFFFFFF  }
0xc4: {  	(tm) =	ssettm $0x7FFFFFFF  }
0xc5: {  	_ =	shalt  }
tec
execute0_lowered:
.L_overlay_start_1:
0x0: {  	(tag) =	ssettag $0x1  }
0x1: {  	s3 =	rddreg [dreg:$0x0]  }
0x2: {  	s4 =	rddreg [dreg:$0x1]  }
0x3: {  	s5 =	rddreg [dreg:$0x2];
	s2 =	srdreg.scid  }
0x4: {  	s0 =	rddreg [dreg:$0x3];
	s1 =	stileid.u32;
	s10 =	simm.s32 $0x80  }
0x5: {  	s11 =	simm.s32 $0x400;
	s12 =	simm.s32 $0x2;
	s13 =	simm.s32 $0x0  }
0x6: {  	s6 =	sand.u32 $0x1, s2;
	s2 =	simm.s32 $0x0;
	s7 =	sshll.u32 s1, $0xA  }
0x7: {  	s3 =	sadd.s32 $0x400, s3;
	s8 =	sshll.u32 s6, $0x9;
	[smem:$0x7FF] =	sst s2  }
0x8: {  	s6 =	ssub.s32 $0x2, s6;
	s7 =	sor.u32 s8, s7;
	_ =	strace $0x80000047  }
0x9: {  	s31 =	sshrl.u32 s6, $0x1;
	s8 =	simm.s32 $0x200;
	s9 =	sshrl.u32 s7, $0x3  }
0xa: {  	s6 =	ssub.s32 s6, s31;
	s5 =	sadd.s32 s5, s7;
	s7 =	simm.s32 $0x3  }
0xb: {  	s4 =	sadd.s32 s4, s9;
	s6 =	smax.u32 s6, $0x1;
	s9 =	simm.s32 $0x1  }
.LBB2_1:
0xc: {  	[tilespmem:s2], [sflag:$0x3] =	stream.linear.gather [hbm4b:s4+s2], $0x200, $0x38;
	[tilespmem:$0x8200] =	vst v63  }
0xd: {  	_ =	swait.ge [sflag:s7], $0x200  }
0xe: {  	[sflag:s7] =	ssyncset.done $0x0  }
0xf: {  	s14 =	simm.s32 $0x0;
	[sflag:s7] =	ssyncadd.s32 $0xFFFFFE00  }
.LBB2_2:
0x10: {  	s16 =	smul.u32 $0x186A0, s14;
	s15 =	sshll.u32 s14, $0x9  }
0x11: {  	s17 =	simm.s32 $0x0;
	s18 =	sand.u32 $0x3FFFFE00, s15  }
0x12: {  	s19 =	simm.s32 $0x0;
	v1 =	vld [tilespmem:s17+$0x0];
	v0 =	vmov s16;
	s16 =	sadd.s32 $0x200, s18;
	s18 =	simm.s32 $0x10  }
.LBB2_3:
0x13: {  	p0 =	sne.s32 s18, $0x1F0;
	_ =	sdelay $0x1  }
.Ltmp0:
0x14: {  	s20 =	sand.u32 $0x180, s17;
	(pc) =	sbr.rel @p0 .LBB2_3-.Ltmp0, $4  }
0x15: {  	s21 =	sand.u32 $0x70, s17;
	s17 =	smov.u32 s18;
	s20 =	sadd.s32 s20, s16  }
0x16: {  	s20 =	sadd.s32 s21, s20;
	v1 =	vadd.s32 v0, v1  }
0x17: {  	s19 =	sadd.s32 $0x10, s19;
	[tilespmem:s20+$0x0] =	vst v1  }
0x18: {  	s18 =	sadd.s32 $0x10, s18;
	v1 =	vld [tilespmem:s19+$0x0]  }
0x19: {  	s14 =	sadd.s32 $0x1, s14  }
0x1a: {  	p0 =	sne.s32 s14, $0x20  }
.Ltmp1:
0x1b: {  	s18 =	sand.u32 $0x180, s17;
	(pc) =	sbr.rel @p0 .LBB2_2-.Ltmp1, $4  }
0x1c: {  	s29 =	sand.u32 $0x70, s17;
	s16 =	sadd.s32 s18, s16  }
0x1d: {  	s16 =	sadd.s32 s29, s16;
	v0 =	vadd.s32 v0, v1  }
0x1e: {  	s30 =	sadd.s32 $0x4200, s15;
	s31 =	sadd.s32 $0x200, s15;
	[tilespmem:s16+$0x0] =	vst v0  }
0x1f: {  	[tilespmem:s30], [sflag:$0x1] =	stream.indirect.gather [hbm4b:s3+s8], $0x1, s31, s8, $0xb8;
	[tilespmem:$0x8200] =	vst v63  }
0x20: {  	s14 =	simm.s32 $0x0  }
0x21: {  	_ =	swait.ge [sflag:s9], $0x200;
	s15 =	sand.u32 $0xC000, s14;
	s16 =	sand.u32 $0x70, s14  }
0x22: {  	[sflag:s9] =	ssyncset.done $0x0;
	s15 =	sor.u32 s16, s15  }
0x23: {  	s31 =	simm.s32 $0x4200;
	[sflag:s9] =	ssyncadd.s32 $0xFFFFFE00;
	s15 =	sadd.s32 s15, s5  }
0x24: {  	[hbm4b:s15+s10] =	stream.strided.scatter [tilespmem:s31], [sflag:$0x2], $0x200, s11, s10, $0x38;
	[tilespmem:$0x8200] =	vst v63  }
0x25: {  	s15 =	simm.s32 $0x800  }
.LBB2_6:
0x26: {  	_ =	swait.ge [sflag:s9], $0x200;
	s16 =	smov.u32 s15;
	p0 =	sne.s32 s15, $0xF800  }
.Ltmp2:
0x27: {  	s17 =	sand.u32 $0xC000, s15;
	s14 =	sadd.s32 $0x10, s14;
	(pc) =	sbr.rel @p0 .LBB2_6-.Ltmp2, $4  }
0x28: {  	s15 =	sadd.s32 $0x800, s15;
	s18 =	sand.u32 $0x70, s14  }
0x29: {  	s16 =	sshra.s32 s16, $0x2;
	s17 =	sor.u32 s18, s17;
	[sflag:s9] =	ssyncset.done $0x0  }
0x2a: {  	s16 =	sadd.s32 $0x4200, s16;
	s17 =	sadd.s32 s17, s5;
	[sflag:s9] =	ssyncadd.s32 $0xFFFFFE00  }
0x2b: {  	[hbm4b:s17+s10] =	stream.strided.scatter [tilespmem:s16], [sflag:$0x2], $0x200, s11, s10, $0x38;
	[tilespmem:$0x8200] =	vst v63  }
0x2c: {  	_ =	swait.ge [sflag:s12], $0x200  }
0x2d: {  	[sflag:s12] =	ssyncset.done $0x0  }
0x2e: {  	[sflag:s12] =	ssyncadd.s32 $0xFFFFFE00  }
0x2f: {  	_ =	swait.ge [sflag:s12], $0x200  }
0x30: {  	[sflag:s12] =	ssyncset.done $0x0  }
0x31: {  	[sflag:s12] =	ssyncadd.s32 $0xFFFFFE00  }
0x32: {  	_ =	swait.ge [sflag:s12], $0x200  }
0x33: {  	[sflag:s12] =	ssyncset.done $0x0  }
0x34: {  	[sflag:s12] =	ssyncadd.s32 $0xFFFFFE00  }
0x35: {  	_ =	swait.ge [sflag:s12], $0x200  }
0x36: {  	[sflag:s12] =	ssyncset.done $0x0  }
0x37: {  	[sflag:s12] =	ssyncadd.s32 $0xFFFFFE00  }
0x38: {  	_ =	swait.ge [sflag:s12], $0x200  }
0x39: {  	[sflag:s12] =	ssyncset.done $0x0  }
0x3a: {  	[sflag:s12] =	ssyncadd.s32 $0xFFFFFE00  }
0x3b: {  	_ =	swait.ge [sflag:s12], $0x200  }
0x3c: {  	[sflag:s12] =	ssyncset.done $0x0  }
0x3d: {  	[sflag:s12] =	ssyncadd.s32 $0xFFFFFE00  }
0x3e: {  	_ =	swait.ge [sflag:s12], $0x200  }
0x3f: {  	[sflag:s12] =	ssyncset.done $0x0  }
0x40: {  	[sflag:s12] =	ssyncadd.s32 $0xFFFFFE00  }
0x41: {  	_ =	swait.ge [sflag:s12], $0x200  }
0x42: {  	[sflag:s12] =	ssyncset.done $0x0  }
0x43: {  	[sflag:s12] =	ssyncadd.s32 $0xFFFFFE00  }
0x44: {  	_ =	swait.ge [sflag:s12], $0x200  }
0x45: {  	[sflag:s12] =	ssyncset.done $0x0  }
0x46: {  	[sflag:s12] =	ssyncadd.s32 $0xFFFFFE00  }
0x47: {  	_ =	swait.ge [sflag:s12], $0x200  }
0x48: {  	[sflag:s12] =	ssyncset.done $0x0  }
0x49: {  	[sflag:s12] =	ssyncadd.s32 $0xFFFFFE00  }
0x4a: {  	_ =	swait.ge [sflag:s12], $0x200  }
0x4b: {  	[sflag:s12] =	ssyncset.done $0x0  }
0x4c: {  	[sflag:s12] =	ssyncadd.s32 $0xFFFFFE00  }
0x4d: {  	_ =	swait.ge [sflag:s12], $0x200  }
0x4e: {  	[sflag:s12] =	ssyncset.done $0x0  }
0x4f: {  	[sflag:s12] =	ssyncadd.s32 $0xFFFFFE00  }
0x50: {  	_ =	swait.ge [sflag:s12], $0x200  }
0x51: {  	[sflag:s12] =	ssyncset.done $0x0  }
0x52: {  	[sflag:s12] =	ssyncadd.s32 $0xFFFFFE00  }
0x53: {  	_ =	swait.ge [sflag:s12], $0x200  }
0x54: {  	[sflag:s12] =	ssyncset.done $0x0  }
0x55: {  	[sflag:s12] =	ssyncadd.s32 $0xFFFFFE00  }
0x56: {  	_ =	swait.ge [sflag:s12], $0x200  }
0x57: {  	[sflag:s12] =	ssyncset.done $0x0  }
0x58: {  	[sflag:s12] =	ssyncadd.s32 $0xFFFFFE00  }
0x59: {  	_ =	swait.ge [sflag:s12], $0x200  }
0x5a: {  	[sflag:s12] =	ssyncset.done $0x0  }
0x5b: {  	[sflag:s12] =	ssyncadd.s32 $0xFFFFFE00  }
0x5c: {  	_ =	swait.ge [sflag:s12], $0x200  }
0x5d: {  	[sflag:s12] =	ssyncset.done $0x0  }
0x5e: {  	[sflag:s12] =	ssyncadd.s32 $0xFFFFFE00  }
0x5f: {  	_ =	swait.ge [sflag:s12], $0x200  }
0x60: {  	[sflag:s12] =	ssyncset.done $0x0  }
0x61: {  	[sflag:s12] =	ssyncadd.s32 $0xFFFFFE00  }
0x62: {  	_ =	swait.ge [sflag:s12], $0x200  }
0x63: {  	[sflag:s12] =	ssyncset.done $0x0  }
0x64: {  	[sflag:s12] =	ssyncadd.s32 $0xFFFFFE00  }
0x65: {  	_ =	swait.ge [sflag:s12], $0x200  }
0x66: {  	[sflag:s12] =	ssyncset.done $0x0  }
0x67: {  	[sflag:s12] =	ssyncadd.s32 $0xFFFFFE00  }
0x68: {  	_ =	swait.ge [sflag:s12], $0x200  }
0x69: {  	[sflag:s12] =	ssyncset.done $0x0  }
0x6a: {  	[sflag:s12] =	ssyncadd.s32 $0xFFFFFE00  }
0x6b: {  	_ =	swait.ge [sflag:s12], $0x200  }
0x6c: {  	[sflag:s12] =	ssyncset.done $0x0  }
0x6d: {  	[sflag:s12] =	ssyncadd.s32 $0xFFFFFE00  }
0x6e: {  	_ =	swait.ge [sflag:s12], $0x200  }
0x6f: {  	[sflag:s12] =	ssyncset.done $0x0  }
0x70: {  	[sflag:s12] =	ssyncadd.s32 $0xFFFFFE00  }
0x71: {  	_ =	swait.ge [sflag:s12], $0x200  }
0x72: {  	[sflag:s12] =	ssyncset.done $0x0  }
0x73: {  	[sflag:s12] =	ssyncadd.s32 $0xFFFFFE00  }
0x74: {  	_ =	swait.ge [sflag:s12], $0x200  }
0x75: {  	[sflag:s12] =	ssyncset.done $0x0  }
0x76: {  	[sflag:s12] =	ssyncadd.s32 $0xFFFFFE00  }
0x77: {  	_ =	swait.ge [sflag:s12], $0x200  }
0x78: {  	[sflag:s12] =	ssyncset.done $0x0  }
0x79: {  	[sflag:s12] =	ssyncadd.s32 $0xFFFFFE00  }
0x7a: {  	_ =	swait.ge [sflag:s12], $0x200  }
0x7b: {  	[sflag:s12] =	ssyncset.done $0x0  }
0x7c: {  	[sflag:s12] =	ssyncadd.s32 $0xFFFFFE00  }
0x7d: {  	_ =	swait.ge [sflag:s12], $0x200  }
0x7e: {  	[sflag:s12] =	ssyncset.done $0x0  }
0x7f: {  	[sflag:s12] =	ssyncadd.s32 $0xFFFFFE00  }
0x80: {  	_ =	swait.ge [sflag:s12], $0x200  }
0x81: {  	[sflag:s12] =	ssyncset.done $0x0  }
0x82: {  	[sflag:s12] =	ssyncadd.s32 $0xFFFFFE00  }
0x83: {  	_ =	swait.ge [sflag:s12], $0x200  }
0x84: {  	[sflag:s12] =	ssyncset.done $0x0  }
0x85: {  	s13 =	sadd.s32 $0x1, s13;
	[sflag:s12] =	ssyncadd.s32 $0xFFFFFE00  }
0x86: {  	p0 =	sne.s32 s13, s6;
	_ =	swait.ge [sflag:s12], $0x200  }
.Ltmp3:
0x87: {  	[sflag:s12] =	ssyncset.done $0x0;
	(pc) =	sbr.rel @p0 .LBB2_1-.Ltmp3, $4  }
0x88: {  	[sflag:s12] =	ssyncadd.s32 $0xFFFFFE00  }
0x89: {  	_ =	swait.ge [sflag:s12], $0x200  }
0x8a: {  	[sflag:s12] =	ssyncset.done $0x0  }
0x8b: {  	[sflag:s12] =	ssyncadd.s32 $0xFFFFFE00  }
0x8c: {  	_ =	sfence.sel $0x180000  }
0x8d: {  	[bflag:$0x0] =	sbarrier.arrive $0xFFFF  }
0x8e: {  	p0 =	sne.s32 s1, $0x0;
	_ =	strace $0x90000047  }
0x8f: {  	s0 =	sadd.s32 @!p0 $0x100000, s0;
	[bflag:$0x2] =	sbarrier.arrive $0xFFFF  }
0x90: {  	[sflag:s0] =	ssyncadd.tile.s32 @!p0 $0x1;
	_ =	shalt  }
.Lfunc_end2:
_tile_overlayer_lowered:
.L_overlay_start_2:
0x91: {  	(tag) =	ssettag $0x2  }
0x92: {  	s0 =	rddreg [dreg:$0x0];
	s2 =	stileid.u32  }
0x93: {  	s1 =	rddreg [dreg:$0x1];
	p0 =	sne.s32 s2, $0x0  }
0x94: {  	s3 =	rddreg [dreg:$0x2];
	[bflag:$0x3] =	sbarrier.arrive $0xFFFF;
	s2 =	simm.s32 @!p0 $0x1C03  }
0x95: {  	[timem:s3], [sflag:s2] =	dma.local @!p0 [hbm:s0], s1  }
0x96: {  	s0 =	simm.s32 @!p0 $0x3  }
0x97: {  	_ =	swait.ge @!p0 [sflag:s0], s1  }
0x98: {  	s1 =	ssub.s32 @!p0 $0x0, s1;
	[sflag:s0] =	ssyncset.done @!p0 $0x0  }
0x99: {  	[sflag:s0] =	ssyncadd.s32 @!p0 s1  }
0x9a: {  	[bflag:$0x3] =	sbarrier.arrive $0xFFFF  }
0x9b: {  	_ =	shalt  }

</sc_bundles>
